<compile_context>
chip_gen: v7x
topology: tpu7x:2x2x1
jax: 0.10.2.dev20260603
libtpu: 0.0.44.dev20260713+nightly
codegen_flags: <defaults>
</compile_context>

<pallas_src>
import functools

import jax
import jax.numpy as jnp
from jax import lax
from jax.experimental import pallas as pl
from jax.experimental.pallas import tpu as pltpu
from jax.experimental.pallas import tpu_sc as plsc

NUM_DOMAINS = 26
BATCH = 16384
NC, NS, L = 1, 16, 16
NW = NC * NS
CHUNK = BATCH // NW
STEPS = CHUNK // L

_LOG1P_COEFFS = (
    0.8109301924705505, -0.1442633867263794, 0.033152297139167786,
    -0.008463365025818348, 0.0022894551511853933, -0.0006334423669613898,
    0.0001813510898500681, -6.614260200876743e-05, 2.02578266907949e-05,
)


def _softplus(w):
    u = jnp.exp(-jnp.abs(w))
    t = 2.0 * u - 1.0
    q = jnp.full_like(t, _LOG1P_COEFFS[-1])
    for c in _LOG1P_COEFFS[-2::-1]:
        q = q * t + c
    return jnp.maximum(w, 0.0) + u * q


_sc_mesh = plsc.VectorSubcoreMesh(
    core_axis_name="c", subcore_axis_name="s", num_cores=NC, num_subcores=NS
)


@functools.partial(
    pl.kernel,
    out_type=jax.ShapeDtypeStruct((BATCH,), jnp.float32),
    mesh=_sc_mesh,
    scratch_types=[
        pltpu.VMEM((CHUNK,), jnp.int32),
        pltpu.VMEM((CHUNK,), jnp.float32),
        pltpu.VMEM((NUM_DOMAINS,), jnp.float32),
        pltpu.VMEM((2 * L,), jnp.float32),
        pltpu.VMEM_SHARED((NUM_DOMAINS,), jnp.float32),
        pltpu.SemaphoreType.DMA,
        pltpu.SemaphoreType.DMA,
    ],
    compiler_params=pltpu.CompilerParams(needs_layout_passes=False),
)
def _sc_kernel(idx_hbm, x_hbm, raw_hbm, out_hbm,
               idx_v, x_v, raw_v, tab_v, raw_sh, sem0, sem1):
    wid = lax.axis_index("s") * NC + lax.axis_index("c")
    base = wid * CHUNK
    cp_idx = pltpu.async_copy(idx_hbm.at[pl.ds(base, CHUNK)], idx_v, sem0)
    cp_x = pltpu.async_copy(x_hbm.at[pl.ds(base, CHUNK)], x_v, sem0)

    @pl.when(wid == 0)
    def _():
        pltpu.sync_copy(raw_hbm, raw_sh)

    plsc.subcore_barrier()
    pltpu.sync_copy(raw_sh, raw_v)

    lane = lax.broadcasted_iota(jnp.int32, (L,), 0)
    idx_hi = jnp.minimum(lane + L, NUM_DOMAINS - 1)
    w_lo = plsc.load_gather(raw_v, [lane])
    w_hi = plsc.load_gather(raw_v, [idx_hi])
    mask_hi = (lane + L) < NUM_DOMAINS
    sp_lo = _softplus(w_lo)
    sp_hi = jnp.where(mask_hi, _softplus(w_hi), 0.0)
    total = jnp.broadcast_to(jnp.sum(sp_lo) + jnp.sum(sp_hi), (L,))
    scale = NUM_DOMAINS / total
    tab_v[pl.ds(0, L)] = sp_lo * scale
    tab_v[pl.ds(L, L)] = sp_hi * scale

    cp_idx.wait()
    cp_x.wait()

    @plsc.parallel_loop(0, CHUNK, step=L, unroll=8)
    def _(off):
        sl = pl.ds(off, L)
        x_v[sl] = x_v[sl] * plsc.load_gather(tab_v, [idx_v[sl]])

    cp_out = pltpu.async_copy(x_v, out_hbm.at[pl.ds(base, CHUNK)], sem1)
    cp_out.wait()


def kernel(idxes, x, raw_weights):
    out = _sc_kernel(idxes, x.reshape(BATCH), raw_weights)
    return out.reshape(BATCH, 1)

# --- scband reference (transcript-rebuilt; emitter-appended) ---
"""Pipeline reference for scband-domain-table-16131897163866 (READ-ONLY COPY).

The authoritative reference and input builder live on the scoring server;
editing this copy changes nothing except your own understanding.
"""

import jax, jax.numpy as jnp
import numpy as np

NUM_DOMAINS = 26
BATCH = 16384

def setup_inputs(seed: int = 0) -> dict:
    key = jax.random.key(seed)
    k1, k2, k3 = jax.random.split(key, 3)
    x = jax.random.normal(k1, (BATCH, 1), dtype=jnp.float32)
    # domain_strings are replaced by their integer indices (domain_to_idx lookup
    # is pure Python string->int mapping; the numeric computation starts at idxes)
    idxes = jax.random.randint(k2, (BATCH,), 0, NUM_DOMAINS).astype(jnp.int32)
    # learned parameter: raw_weights, shape (num_domains,). Original init is zeros;
    # use small random values so the computation is non-degenerate.
    raw_weights = jax.random.normal(k3, (NUM_DOMAINS,), dtype=jnp.float32) * 0.1
    return {"idxes": idxes, "x": x, "raw_weights": raw_weights}

def reference(idxes, x, raw_weights):
    positive_weights = jax.nn.softplus(raw_weights)
    mean_weights = jnp.mean(positive_weights)
    normalized_weights = positive_weights / mean_weights
    domain_weights = jnp.take(normalized_weights, idxes, axis=0)
    domain_weights = domain_weights.reshape(-1, 1)
    out = x * domain_weights
    return out

if __name__ == "__main__":
    import jax
    _d = setup_inputs()
    print(jax.jit(kernel)(*tuple(_d.values())))

</pallas_src>

<mosaic_0001>
#map = affine_map<(d0, d1) -> (0)>
module attributes {stable_mosaic.version = 14 : i64} {
  func.func @_sc_kernel(%arg0: i32, %arg1: i32, %arg2: memref<16384xi32, #tpu.memory_space<hbm>>, %arg3: memref<16384xf32, #tpu.memory_space<hbm>>, %arg4: memref<26xf32, #tpu.memory_space<hbm>>, %arg5: memref<16384xf32, #tpu.memory_space<hbm>>, %arg6: memref<1024xi32, #tpu.memory_space<vmem>>, %arg7: memref<1024xf32, #tpu.memory_space<vmem>>, %arg8: memref<26xf32, #tpu.memory_space<vmem>>, %arg9: memref<32xf32, #tpu.memory_space<vmem>>, %arg10: memref<26xf32, #tpu.memory_space<vmem_shared>>, %arg11: memref<!tpu.dma_semaphore, #tpu.memory_space<semaphore_mem>>, %arg12: memref<!tpu.dma_semaphore, #tpu.memory_space<semaphore_mem>>) attributes {dimension_semantics = [#tpu.dimension_semantics<core_parallel>, #tpu.dimension_semantics<subcore_parallel>], iteration_bounds = array<i64: 1, 16>, scalar_prefetch = 0 : i64, scratch_operands = 7 : i64, tpu.core_type = #tpu.core_type<sc_vector_subcore>, window_params = [{transform_indices = #map}, {transform_indices = #map}, {transform_indices = #map}, {transform_indices = #map}]} {
    %mul3A = arith.constant 1 : i32
    %mul3A_0 = arith.muli %arg1, %mul3A : i32
    %add3A = arith.addi %mul3A_0, %arg0 : i32
    %mul3A_1 = arith.constant 1024 : i32
    %mul3A_2 = arith.muli %add3A, %mul3A_1 : i32
    %dma_start3A = tpu.memref_slice %arg2[%mul3A_2] : memref<16384xi32, #tpu.memory_space<hbm>> -> memref<1024xi32, #tpu.memory_space<hbm>>
    %dma_start3A_3 = tpu.memref_slice %arg2[%mul3A_2] : memref<16384xi32, #tpu.memory_space<hbm>> -> memref<1024xi32, #tpu.memory_space<hbm>>
    tpu.enqueue_dma source(%dma_start3A_3 : memref<1024xi32, #tpu.memory_space<hbm>>) target(%arg6 : memref<1024xi32, #tpu.memory_space<vmem>>) target_semaphore(%arg11 : memref<!tpu.dma_semaphore, #tpu.memory_space<semaphore_mem>>)
    %dma_start3A_4 = tpu.memref_slice %arg3[%mul3A_2] : memref<16384xf32, #tpu.memory_space<hbm>> -> memref<1024xf32, #tpu.memory_space<hbm>>
    %dma_start3A_5 = tpu.memref_slice %arg3[%mul3A_2] : memref<16384xf32, #tpu.memory_space<hbm>> -> memref<1024xf32, #tpu.memory_space<hbm>>
    tpu.enqueue_dma source(%dma_start3A_5 : memref<1024xf32, #tpu.memory_space<hbm>>) target(%arg7 : memref<1024xf32, #tpu.memory_space<vmem>>) target_semaphore(%arg11 : memref<!tpu.dma_semaphore, #tpu.memory_space<semaphore_mem>>)
    %eq3A = arith.constant 0 : i32
    %eq3A_6 = arith.cmpi eq, %add3A, %eq3A : i32
    %convert_element_type3A = arith.extui %eq3A_6 : i1 to i32
    %cond3A = arith.constant 0 : i32
    %cond3A_7 = arith.cmpi ne, %convert_element_type3A, %cond3A : i32
    scf.if %cond3A_7 {
      "tpu.region"() ({
        %run_scoped3A = tpu.sem_alloc : memref<!tpu.dma_semaphore, #tpu.memory_space<semaphore_mem>>
        tpu.enqueue_dma source(%arg4 : memref<26xf32, #tpu.memory_space<hbm>>) target(%arg10 : memref<26xf32, #tpu.memory_space<vmem_shared>>) target_semaphore(%run_scoped3A : memref<!tpu.dma_semaphore, #tpu.memory_space<semaphore_mem>>)
        tpu.wait_dma2 semaphore(%run_scoped3A : memref<!tpu.dma_semaphore, #tpu.memory_space<semaphore_mem>>) src(%arg4 : memref<26xf32, #tpu.memory_space<hbm>>) dst(%arg10 : memref<26xf32, #tpu.memory_space<vmem_shared>>)
        tpu.yield
      }) : () -> ()
    } else {
    }
    %barrier3A = arith.constant 0 : index
    tpu.barrier barrier_id(%barrier3A)
    "tpu.region"() ({
      %run_scoped3A = tpu.sem_alloc : memref<!tpu.dma_semaphore, #tpu.memory_space<semaphore_mem>>
      tpu.enqueue_dma source(%arg10 : memref<26xf32, #tpu.memory_space<vmem_shared>>) target(%arg8 : memref<26xf32, #tpu.memory_space<vmem>>) target_semaphore(%run_scoped3A : memref<!tpu.dma_semaphore, #tpu.memory_space<semaphore_mem>>)
      tpu.wait_dma2 semaphore(%run_scoped3A : memref<!tpu.dma_semaphore, #tpu.memory_space<semaphore_mem>>) src(%arg10 : memref<26xf32, #tpu.memory_space<vmem_shared>>) dst(%arg8 : memref<26xf32, #tpu.memory_space<vmem>>)
      tpu.yield
    }) : () -> ()
    %iota3A = tpu.iota {dimensions = array<i32: 0>} : vector<16xi32>
    %add3A_8 = arith.constant 16 : i32
    %add3A_9 = vector.broadcast %add3A_8 : i32 to vector<16xi32>
    %add3A_10 = arith.addi %iota3A, %add3A_9 : vector<16xi32>
    %min3A = arith.constant 25 : i32
    %min3A_11 = vector.broadcast %min3A : i32 to vector<16xi32>
    %min3A_12 = arith.minsi %add3A_10, %min3A_11 : vector<16xi32>
    %gather3A = tpu.vector_load_idx %arg8[%iota3A] : memref<26xf32, #tpu.memory_space<vmem>>[vector<16xi32>], vector<16xf32>,
    %gather3A_13 = tpu.vector_load_idx %arg8[%min3A_12] : memref<26xf32, #tpu.memory_space<vmem>>[vector<16xi32>], vector<16xf32>,
    %add3A_14 = arith.constant 16 : i32
    %add3A_15 = vector.broadcast %add3A_14 : i32 to vector<16xi32>
    %add3A_16 = arith.addi %iota3A, %add3A_15 : vector<16xi32>
    %lt3A = arith.constant 26 : i32
    %lt3A_17 = vector.broadcast %lt3A : i32 to vector<16xi32>
    %lt3A_18 = arith.cmpi slt, %add3A_16, %lt3A_17 : vector<16xi32>
    %abs3A = math.absf %gather3A : vector<16xf32>
    %neg3A = arith.constant 0.000000e+00 : f32
    %neg3A_19 = vector.broadcast %neg3A : f32 to vector<16xf32>
    %neg3A_20 = arith.subf %neg3A_19, %abs3A : vector<16xf32>
    %exp3A = math.exp %neg3A_20 : vector<16xf32>
    %mul3A_21 = arith.constant 2.000000e+00 : f32
    %mul3A_22 = vector.broadcast %mul3A_21 : f32 to vector<16xf32>
    %mul3A_23 = arith.mulf %mul3A_22, %exp3A : vector<16xf32>
    %sub3A = arith.constant 1.000000e+00 : f32
    %sub3A_24 = vector.broadcast %sub3A : f32 to vector<16xf32>
    %sub3A_25 = arith.subf %mul3A_23, %sub3A_24 : vector<16xf32>
    %broadcast_in_dim3A = arith.constant 2.02578267E-5 : f32
    %broadcast_in_dim3A_26 = vector.broadcast %broadcast_in_dim3A : f32 to vector<16xf32>
    %mul3A_27 = arith.mulf %broadcast_in_dim3A_26, %sub3A_25 : vector<16xf32>
    %add3A_28 = arith.constant -6.614260e-05 : f32
    %add3A_29 = vector.broadcast %add3A_28 : f32 to vector<16xf32>
    %add3A_30 = arith.addf %mul3A_27, %add3A_29 : vector<16xf32>
    %mul3A_31 = arith.mulf %add3A_30, %sub3A_25 : vector<16xf32>
    %add3A_32 = arith.constant 1.8135109E-4 : f32
    %add3A_33 = vector.broadcast %add3A_32 : f32 to vector<16xf32>
    %add3A_34 = arith.addf %mul3A_31, %add3A_33 : vector<16xf32>
    %mul3A_35 = arith.mulf %add3A_34, %sub3A_25 : vector<16xf32>
    %add3A_36 = arith.constant -6.33442367E-4 : f32
    %add3A_37 = vector.broadcast %add3A_36 : f32 to vector<16xf32>
    %add3A_38 = arith.addf %mul3A_35, %add3A_37 : vector<16xf32>
    %mul3A_39 = arith.mulf %add3A_38, %sub3A_25 : vector<16xf32>
    %add3A_40 = arith.constant 0.00228945515 : f32
    %add3A_41 = vector.broadcast %add3A_40 : f32 to vector<16xf32>
    %add3A_42 = arith.addf %mul3A_39, %add3A_41 : vector<16xf32>
    %mul3A_43 = arith.mulf %add3A_42, %sub3A_25 : vector<16xf32>
    %add3A_44 = arith.constant -0.00846336503 : f32
    %add3A_45 = vector.broadcast %add3A_44 : f32 to vector<16xf32>
    %add3A_46 = arith.addf %mul3A_43, %add3A_45 : vector<16xf32>
    %mul3A_47 = arith.mulf %add3A_46, %sub3A_25 : vector<16xf32>
    %add3A_48 = arith.constant 0.0331522971 : f32
    %add3A_49 = vector.broadcast %add3A_48 : f32 to vector<16xf32>
    %add3A_50 = arith.addf %mul3A_47, %add3A_49 : vector<16xf32>
    %mul3A_51 = arith.mulf %add3A_50, %sub3A_25 : vector<16xf32>
    %add3A_52 = arith.constant -0.144263387 : f32
    %add3A_53 = vector.broadcast %add3A_52 : f32 to vector<16xf32>
    %add3A_54 = arith.addf %mul3A_51, %add3A_53 : vector<16xf32>
    %mul3A_55 = arith.mulf %add3A_54, %sub3A_25 : vector<16xf32>
    %add3A_56 = arith.constant 0.810930192 : f32
    %add3A_57 = vector.broadcast %add3A_56 : f32 to vector<16xf32>
    %add3A_58 = arith.addf %mul3A_55, %add3A_57 : vector<16xf32>
    %max3A = arith.constant 0.000000e+00 : f32
    %max3A_59 = vector.broadcast %max3A : f32 to vector<16xf32>
    %max3A_60 = arith.maximumf %gather3A, %max3A_59 : vector<16xf32>
    %mul3A_61 = arith.mulf %exp3A, %add3A_58 : vector<16xf32>
    %add3A_62 = arith.addf %max3A_60, %mul3A_61 : vector<16xf32>
    %abs3A_63 = math.absf %gather3A_13 : vector<16xf32>
    %neg3A_64 = arith.constant 0.000000e+00 : f32
    %neg3A_65 = vector.broadcast %neg3A_64 : f32 to vector<16xf32>
    %neg3A_66 = arith.subf %neg3A_65, %abs3A_63 : vector<16xf32>
    %exp3A_67 = math.exp %neg3A_66 : vector<16xf32>
    %mul3A_68 = arith.constant 2.000000e+00 : f32
    %mul3A_69 = vector.broadcast %mul3A_68 : f32 to vector<16xf32>
    %mul3A_70 = arith.mulf %mul3A_69, %exp3A_67 : vector<16xf32>
    %sub3A_71 = arith.constant 1.000000e+00 : f32
    %sub3A_72 = vector.broadcast %sub3A_71 : f32 to vector<16xf32>
    %sub3A_73 = arith.subf %mul3A_70, %sub3A_72 : vector<16xf32>
    %broadcast_in_dim3A_74 = arith.constant 2.02578267E-5 : f32
    %broadcast_in_dim3A_75 = vector.broadcast %broadcast_in_dim3A_74 : f32 to vector<16xf32>
    %mul3A_76 = arith.mulf %broadcast_in_dim3A_75, %sub3A_73 : vector<16xf32>
    %add3A_77 = arith.constant -6.614260e-05 : f32
    %add3A_78 = vector.broadcast %add3A_77 : f32 to vector<16xf32>
    %add3A_79 = arith.addf %mul3A_76, %add3A_78 : vector<16xf32>
    %mul3A_80 = arith.mulf %add3A_79, %sub3A_73 : vector<16xf32>
    %add3A_81 = arith.constant 1.8135109E-4 : f32
    %add3A_82 = vector.broadcast %add3A_81 : f32 to vector<16xf32>
    %add3A_83 = arith.addf %mul3A_80, %add3A_82 : vector<16xf32>
    %mul3A_84 = arith.mulf %add3A_83, %sub3A_73 : vector<16xf32>
    %add3A_85 = arith.constant -6.33442367E-4 : f32
    %add3A_86 = vector.broadcast %add3A_85 : f32 to vector<16xf32>
    %add3A_87 = arith.addf %mul3A_84, %add3A_86 : vector<16xf32>
    %mul3A_88 = arith.mulf %add3A_87, %sub3A_73 : vector<16xf32>
    %add3A_89 = arith.constant 0.00228945515 : f32
    %add3A_90 = vector.broadcast %add3A_89 : f32 to vector<16xf32>
    %add3A_91 = arith.addf %mul3A_88, %add3A_90 : vector<16xf32>
    %mul3A_92 = arith.mulf %add3A_91, %sub3A_73 : vector<16xf32>
    %add3A_93 = arith.constant -0.00846336503 : f32
    %add3A_94 = vector.broadcast %add3A_93 : f32 to vector<16xf32>
    %add3A_95 = arith.addf %mul3A_92, %add3A_94 : vector<16xf32>
    %mul3A_96 = arith.mulf %add3A_95, %sub3A_73 : vector<16xf32>
    %add3A_97 = arith.constant 0.0331522971 : f32
    %add3A_98 = vector.broadcast %add3A_97 : f32 to vector<16xf32>
    %add3A_99 = arith.addf %mul3A_96, %add3A_98 : vector<16xf32>
    %mul3A_100 = arith.mulf %add3A_99, %sub3A_73 : vector<16xf32>
    %add3A_101 = arith.constant -0.144263387 : f32
    %add3A_102 = vector.broadcast %add3A_101 : f32 to vector<16xf32>
    %add3A_103 = arith.addf %mul3A_100, %add3A_102 : vector<16xf32>
    %mul3A_104 = arith.mulf %add3A_103, %sub3A_73 : vector<16xf32>
    %add3A_105 = arith.constant 0.810930192 : f32
    %add3A_106 = vector.broadcast %add3A_105 : f32 to vector<16xf32>
    %add3A_107 = arith.addf %mul3A_104, %add3A_106 : vector<16xf32>
    %max3A_108 = arith.constant 0.000000e+00 : f32
    %max3A_109 = vector.broadcast %max3A_108 : f32 to vector<16xf32>
    %max3A_110 = arith.maximumf %gather3A_13, %max3A_109 : vector<16xf32>
    %mul3A_111 = arith.mulf %exp3A_67, %add3A_107 : vector<16xf32>
    %add3A_112 = arith.addf %max3A_110, %mul3A_111 : vector<16xf32>
    %jit3A = arith.constant 0.000000e+00 : f32
    %broadcast_in_dim3A_113 = vector.broadcast %jit3A : f32 to vector<16xf32>
    %select_n3A = arith.select %lt3A_18, %add3A_112, %broadcast_in_dim3A_113 : vector<16xi1>, vector<16xf32>
    %reduce_sum3A = arith.constant true
    %reduce_sum3A_114 = vector.broadcast %reduce_sum3A : i1 to vector<16xi1>
    %reduce_sum3A_115 = tpu.scan <sum>, %add3A_62 masked %reduce_sum3A_114 : vector<16xf32>, vector<16xi1> -> vector<16xf32>
    %reduce_sum3A_116 = vector.extract %reduce_sum3A_115[15] : f32 from vector<16xf32>
    %reduce_sum3A_117 = arith.constant true
    %reduce_sum3A_118 = vector.broadcast %reduce_sum3A_117 : i1 to vector<16xi1>
    %reduce_sum3A_119 = tpu.scan <sum>, %select_n3A masked %reduce_sum3A_118 : vector<16xf32>, vector<16xi1> -> vector<16xf32>
    %reduce_sum3A_120 = vector.extract %reduce_sum3A_119[15] : f32 from vector<16xf32>
    %add3A_121 = arith.addf %reduce_sum3A_116, %reduce_sum3A_120 : f32
    %broadcast_in_dim3A_122 = vector.broadcast %add3A_121 : f32 to vector<16xf32>
    %div3A = arith.constant 2.600000e+01 : f32
    %div3A_123 = vector.broadcast %div3A : f32 to vector<16xf32>
    %div3A_124 = arith.divf %div3A_123, %broadcast_in_dim3A_122 : vector<16xf32>
    %mul3A_125 = arith.mulf %add3A_62, %div3A_124 : vector<16xf32>
    %swap3A = arith.constant 0 : index
    %swap3A_126 = tpu.vector_load %arg9[%swap3A] {strides = array<i32>} : memref<32xf32, #tpu.memory_space<vmem>>, vector<16xf32>,
    tpu.vector_store %arg9[%swap3A], %mul3A_125 {strides = array<i32>} : memref<32xf32, #tpu.memory_space<vmem>>, vector<16xf32>,
    %mul3A_127 = arith.mulf %select_n3A, %div3A_124 : vector<16xf32>
    %swap3A_128 = arith.constant 16 : index
    %swap3A_129 = tpu.vector_load %arg9[%swap3A_128] {strides = array<i32>} : memref<32xf32, #tpu.memory_space<vmem>>, vector<16xf32>,
    tpu.vector_store %arg9[%swap3A_128], %mul3A_127 {strides = array<i32>} : memref<32xf32, #tpu.memory_space<vmem>>, vector<16xf32>,
    %dma_wait3A = tpu.memref_slice %arg2[%mul3A_2] : memref<16384xi32, #tpu.memory_space<hbm>> -> memref<1024xi32, #tpu.memory_space<hbm>>
    %dma_wait3A_130 = tpu.memref_slice %arg2[%mul3A_2] : memref<16384xi32, #tpu.memory_space<hbm>> -> memref<1024xi32, #tpu.memory_space<hbm>>
    tpu.wait_dma2 semaphore(%arg11 : memref<!tpu.dma_semaphore, #tpu.memory_space<semaphore_mem>>) src(%dma_wait3A_130 : memref<1024xi32, #tpu.memory_space<hbm>>) dst(%arg6 : memref<1024xi32, #tpu.memory_space<vmem>>)
    %dma_wait3A_131 = tpu.memref_slice %arg3[%mul3A_2] : memref<16384xf32, #tpu.memory_space<hbm>> -> memref<1024xf32, #tpu.memory_space<hbm>>
    %dma_wait3A_132 = tpu.memref_slice %arg3[%mul3A_2] : memref<16384xf32, #tpu.memory_space<hbm>> -> memref<1024xf32, #tpu.memory_space<hbm>>
    tpu.wait_dma2 semaphore(%arg11 : memref<!tpu.dma_semaphore, #tpu.memory_space<semaphore_mem>>) src(%dma_wait3A_132 : memref<1024xf32, #tpu.memory_space<hbm>>) dst(%arg7 : memref<1024xf32, #tpu.memory_space<vmem>>)
    %parallel_loop3A = arith.constant 0 : i32
    %parallel_loop3A_133 = arith.constant 1024 : i32
    %parallel_loop3A_134 = arith.constant 16 : i32
    scf.for %parallel_loop3A_139 = %parallel_loop3A to %parallel_loop3A_133 step %parallel_loop3A_134  : i32 {
      %parallel_loop3A_140 = arith.index_cast %parallel_loop3A_139 : i32 to index
      %parallel_loop3A_141 = tpu.vector_load %arg7[%parallel_loop3A_140] {strides = array<i32>} : memref<1024xf32, #tpu.memory_space<vmem>>, vector<16xf32>,
      %parallel_loop3A_142 = arith.index_cast %parallel_loop3A_139 : i32 to index
      %parallel_loop3A_143 = tpu.vector_load %arg6[%parallel_loop3A_142] {strides = array<i32>} : memref<1024xi32, #tpu.memory_space<vmem>>, vector<16xi32>,
      %parallel_loop3A_144 = tpu.vector_load_idx %arg9[%parallel_loop3A_143] : memref<32xf32, #tpu.memory_space<vmem>>[vector<16xi32>], vector<16xf32>,
      %parallel_loop3A_145 = arith.mulf %parallel_loop3A_141, %parallel_loop3A_144 : vector<16xf32>
      %parallel_loop3A_146 = arith.index_cast %parallel_loop3A_139 : i32 to index
      %parallel_loop3A_147 = tpu.vector_load %arg7[%parallel_loop3A_146] {strides = array<i32>} : memref<1024xf32, #tpu.memory_space<vmem>>, vector<16xf32>,
      tpu.vector_store %arg7[%parallel_loop3A_146], %parallel_loop3A_145 {strides = array<i32>} : memref<1024xf32, #tpu.memory_space<vmem>>, vector<16xf32>,
    } {sc.loop_unroll_factor = 8 : i64, sc.parallel_access}
    %dma_start3A_135 = tpu.memref_slice %arg5[%mul3A_2] : memref<16384xf32, #tpu.memory_space<hbm>> -> memref<1024xf32, #tpu.memory_space<hbm>>
    %dma_start3A_136 = tpu.memref_slice %arg5[%mul3A_2] : memref<16384xf32, #tpu.memory_space<hbm>> -> memref<1024xf32, #tpu.memory_space<hbm>>
    tpu.enqueue_dma source(%arg7 : memref<1024xf32, #tpu.memory_space<vmem>>) target(%dma_start3A_136 : memref<1024xf32, #tpu.memory_space<hbm>>) target_semaphore(%arg12 : memref<!tpu.dma_semaphore, #tpu.memory_space<semaphore_mem>>)
    %dma_wait3A_137 = tpu.memref_slice %arg5[%mul3A_2] : memref<16384xf32, #tpu.memory_space<hbm>> -> memref<1024xf32, #tpu.memory_space<hbm>>
    %dma_wait3A_138 = tpu.memref_slice %arg5[%mul3A_2] : memref<16384xf32, #tpu.memory_space<hbm>> -> memref<1024xf32, #tpu.memory_space<hbm>>
    tpu.wait_dma2 semaphore(%arg12 : memref<!tpu.dma_semaphore, #tpu.memory_space<semaphore_mem>>) src(%arg7 : memref<1024xf32, #tpu.memory_space<vmem>>) dst(%dma_wait3A_138 : memref<1024xf32, #tpu.memory_space<hbm>>)
    return
  }
}

</mosaic_0001>

<sc_bundles>
// kernel: kernel.3.cloned.1.call-start
scs
__scs_entry_jumppad:
0x0: {  	(pc) =	sbr.rel $0x88, $3  }
0x1: {  	(tag) =	ssettag $0x0;
	lr =	simm.s32 $0x1  }
0x2: {  	[smem:$0x3F9E] =	sst lr;
	_ =	strace $0xD0000000  }
0x3: {  	_ = 	snop  }
0x4: {  	_ = 	snop  }
0x5: {  	_ = 	snop  }
0x6: {  	_ = 	snop  }
0x7: {  	_ = 	snop  }
__scs_overlays_trampoline_lowered:
0x8: {  	[smem:$0x3FAD] =	sst s0  }
0x9: {  	[smem:$0x3FAE] =	sst s1  }
0xa: {  	[smem:$0x3FAF] =	sst s2  }
0xb: {  	[smem:$0x3FB0] =	sst s3  }
0xc: {  	[smem:$0x3FB1] =	sst s4  }
0xd: {  	[smem:$0x3FB2] =	sst s5  }
0xe: {  	[smem:$0x3FB3] =	sst s6  }
0xf: {  	[smem:$0x3FB4] =	sst s7  }
0x10: {  	[smem:$0x3FB5] =	sst s8  }
0x11: {  	[smem:$0x3FB6] =	sst s9;
	s0 =	simm.s32 @!p0 $0x0  }
0x12: {  	s1 =	sld [smem:$0x3F9C];
	s0 =	simm.s32 @p0 $0x1  }
0x13: {  	[smem:$0x3FB7] =	sst s0;
	s0 =	simm.s32 @!p1 $0x0  }
0x14: {  	s2 =	sld [smem:$0x3F9B];
	s0 =	simm.s32 @p1 $0x1  }
0x15: {  	[smem:$0x3FB8] =	sst s0;
	s0 =	simm.s32 @!p2 $0x0  }
0x16: {  	s3 =	sld [smem:$0x3FDB];
	s0 =	simm.s32 @p2 $0x1  }
0x17: {  	s4 =	simm.s32 $0x1BF5;
	[smem:$0x3FBA] =	sst s0  }
0x18: {  	s0 =	sld [smem:$0x3F9D];
	_ =	swait.ge [sflag:s4], $0x0  }
0x19: {  	s7 =	sld [smem:$0x3F9E]  }
0x1a: {  	s8 =	sadd.s32 $0xFFFFE003, lr  }
0x1b: {  	s9 =	sadd.s32 $0xFFFFFEF7, lr;
	s5 =	simm.s32 $0xFFFFFFFF;
	p2 =	slt.u32 s8, $0xFFFFF086  }
0x1c: {  	p1 =	slt.u32 s9, $0xF7A;
	s5 =	simm.s32 @!p2 $0x0  }
0x1d: {  	s5 =	simm.s32 @p1 $0x1;
	p0 =	seq.s32 s7, s2  }
0x1e: {  	s7 =	smul.u32 @!p0 $0xF7A, s2;
	p2 =	seq.s32 @!p0 s5, $0x0  }
0x1f: {  	s9 =	smul.u32 $0xF7A, s1;
	s8 =	simm.s32 @!p0 $0x1BF5;
	p2 =	por !p2, p0  }
0x20: {  	[sflag:s8] =	ssyncset.s32 @!p0 $0xFFFFF086;
	s6 =	sadd.s32 @!p0 s3, s7;
	s7 =	simm.s32 @!p0 $0x108  }
0x21: {  	s3 =	sadd.s32 s3, s9;
	s6 =	sadd.s32 @!p0 $0x88, s6;
	s7 =	simm.s32 @p2 $0x1082  }
0x22: {  	[simem:s7], [sflag:s8] =	dma.local @!p0 [hbm:s6], $0xF7A  }
0x23: {  	s9 =	sor.u32 $0xD0000000, s2;
	s6 =	simm.s32 $0x108;
	_ =	swait.ge @!p0 [sflag:s8], $0x0  }
0x24: {  	s3 =	sadd.s32 $0x88, s3;
	s6 =	simm.s32 @!p1 $0x1082;
	[sflag:s4] =	ssyncset.s32 $0xFFFFF086  }
0x25: {  	[simem:s6], [sflag:s4] =	dma.local [hbm:s3], $0xF7A  }
0x26: {  	[smem:$0x3F9E] =	sst s1;
	(tag) =	ssettag s2;
	_ =	strace s9  }
0x27: {  	s1 =	sld [smem:$0x3FAE]  }
0x28: {  	s2 =	sld [smem:$0x3FAF]  }
0x29: {  	s4 =	sld [smem:$0x3FB1]  }
0x2a: {  	p0 =	seq.s32 s5, $0x0;
	s5 =	sld [smem:$0x3FB2]  }
0x2b: {  	s6 =	sld [smem:$0x3FB3]  }
0x2c: {  	s7 =	sld [smem:$0x3FB4]  }
0x2d: {  	s3 =	simm.s32 $0x108;
	s8 =	sld [smem:$0x3FB5]  }
0x2e: {  	s3 =	simm.s32 @!p0 $0x1082;
	s9 =	sld [smem:$0x3FB6]  }
0x2f: {  	lr =	sadd.s32 s0, s3;
	s0 =	sld [smem:$0x3FAD]  }
0x30: {  	s3 =	sld [smem:$0x3FB0]  }
0x31: {  	[smem:$0x3FB9] =	sst s10  }
0x32: {  	s10 =	sld [smem:$0x3FB7];
	_ =	sdelay $0x3  }
0x33: {  	p0 =	seq.s32 s10, $0x1;
	s10 =	sld [smem:$0x3FB9];
	_ =	sdelay $0x3  }
0x34: {  	[smem:$0x3FB9] =	sst s10  }
0x35: {  	s10 =	sld [smem:$0x3FB8];
	_ =	sdelay $0x3  }
0x36: {  	p1 =	seq.s32 s10, $0x1;
	s10 =	sld [smem:$0x3FB9];
	_ =	sdelay $0x3  }
0x37: {  	[smem:$0x3FB9] =	sst s10  }
0x38: {  	s10 =	sld [smem:$0x3FBA]  }
0x39: {  	_ = 	snop;
	(pc) =	sbr.ind lr, $3  }
0x3a: {  	_ = 	snop  }
0x3b: {  	_ = 	snop  }
0x3c: {  	p2 =	seq.s32 s10, $0x1;
	s10 =	sld [smem:$0x3FB9]  }
0x3d: {  	_ =	shalt  }
0x3e: {  	_ =	shalt  }
0x3f: {  	_ =	shalt  }
0x40: {  	_ =	shalt  }
0x41: {  	_ =	shalt  }
0x42: {  	_ =	shalt  }
0x43: {  	_ =	shalt  }
0x44: {  	_ =	shalt  }
0x45: {  	_ =	shalt  }
0x46: {  	_ =	shalt  }
0x47: {  	_ =	shalt  }
0x48: {  	_ =	shalt  }
0x49: {  	_ =	shalt  }
0x4a: {  	_ =	shalt  }
0x4b: {  	_ =	shalt  }
0x4c: {  	_ =	shalt  }
0x4d: {  	_ =	shalt  }
0x4e: {  	_ =	shalt  }
0x4f: {  	_ =	shalt  }
0x50: {  	_ =	shalt  }
0x51: {  	_ =	shalt  }
0x52: {  	_ =	shalt  }
0x53: {  	_ =	shalt  }
0x54: {  	_ =	shalt  }
0x55: {  	_ =	shalt  }
0x56: {  	_ =	shalt  }
0x57: {  	_ =	shalt  }
0x58: {  	_ =	shalt  }
0x59: {  	_ =	shalt  }
0x5a: {  	_ =	shalt  }
0x5b: {  	_ =	shalt  }
0x5c: {  	_ =	shalt  }
0x5d: {  	_ =	shalt  }
0x5e: {  	_ =	shalt  }
0x5f: {  	_ =	shalt  }
0x60: {  	_ =	shalt  }
0x61: {  	_ =	shalt  }
0x62: {  	_ =	shalt  }
0x63: {  	_ =	shalt  }
0x64: {  	_ =	shalt  }
0x65: {  	_ =	shalt  }
0x66: {  	_ =	shalt  }
0x67: {  	_ =	shalt  }
0x68: {  	_ =	shalt  }
0x69: {  	_ =	shalt  }
0x6a: {  	_ =	shalt  }
0x6b: {  	_ =	shalt  }
0x6c: {  	_ =	shalt  }
0x6d: {  	_ =	shalt  }
0x6e: {  	_ =	shalt  }
0x6f: {  	_ =	shalt  }
0x70: {  	_ =	shalt  }
0x71: {  	_ =	shalt  }
0x72: {  	_ =	shalt  }
0x73: {  	_ =	shalt  }
0x74: {  	_ =	shalt  }
0x75: {  	_ =	shalt  }
0x76: {  	_ =	shalt  }
0x77: {  	_ =	shalt  }
0x78: {  	_ =	shalt  }
0x79: {  	_ =	shalt  }
0x7a: {  	_ =	shalt  }
0x7b: {  	_ =	shalt  }
0x7c: {  	_ =	shalt  }
0x7d: {  	_ =	shalt  }
0x7e: {  	_ =	shalt  }
0x7f: {  	_ =	shalt  }
0x80: {  	_ =	shalt  }
0x81: {  	_ =	shalt  }
0x82: {  	_ =	shalt  }
0x83: {  	_ =	shalt  }
0x84: {  	_ =	shalt  }
0x85: {  	_ =	shalt  }
0x86: {  	_ =	shalt  }
0x87: {  	_ =	shalt  }
.Lfunc_end0:
.L_simem_size_0:
called_computation_lowered:
.L_overlay_start_0:
0x88: {  	s0 =	sld [smem:$0x3FD9]  }
0x89: {  	s1 =	sld [smem:$0x3FFE];
	_ =	sdelay $0x3  }
0x8a: {  	s0 =	sadd.s32 s1, s0  }
0x8b: {  	[smem:$0x3FC5] =	sst s0  }
0x8c: {  	_ = 	snop  }
0x8d: {  	s0 =	sld [smem:$0x3FC9]  }
0x8e: {  	s17 =	sld [smem:$0x3FC8]  }
0x8f: {  	s2 =	sld [smem:$0x3FC7]  }
0x90: {  	s3 =	sld [smem:$0x3FD0];
	(tm) =	ssettm $0x1  }
0x91: {  	s4 =	sld [smem:$0x3FFB];
	_ =	sdelay $0x3  }
0x92: {  	_ =	strace s4  }
0x93: {  	s4 =	sld [smem:$0x3FFC];
	_ =	sdelay $0x3  }
0x94: {  	_ =	strace s4  }
0x95: {  	s4 =	sld [smem:$0x3FFD];
	_ =	sdelay $0x3  }
0x96: {  	_ =	strace s4  }
0x97: {  	_ =	strace $0x8FFFFFFF  }
0x98: {  	s18 =	sld [smem:$0x3FDB];
	_ =	sdelay $0x1  }
0x99: {  	s5 =	simm.s32 $_scs_section_size  }
0x9a: {  	s6 =	simm.s32 $_size__tile_overlayer_lowered;
	s7 =	simm.s32 $_tile_overlayer_lowered  }
0x9b: {  	s21 =	simm.s32 $0x1BFF;
	s20 =	sshll.u32 s7, $0x1;
	s4 =	sadd.s32 s5, s18  }
0x9c: {  	s8 =	simm.s32 $0x0;
	s19 =	sshll.u32 s6, $0x1;
	s6 =	sadd.s32 s20, s4  }
0x9d: {  	[timem:s8], [sflag:s21] =	dma.local [hbm:s6], s19  }
0x9e: {  	_ =	swait.ge [sflag:s21], s19  }
0x9f: {  	s5 =	ssub.s32 $0x0, s19;
	[sflag:s21] =	ssyncset.done $0x0  }
0xa0: {  	[sflag:s21] =	ssyncadd.s32 s5;
	_ =	sdelay $0x1  }
0xa1: {  	s22 =	simm.s32 $0x1B8B  }
0xa2: {  	_ =	swait.ge [sflag:s22], $0x1  }
0xa3: {  	[sflag:s22] =	ssyncset.done $0x0  }
0xa4: {  	s23 =	simm.s32 $0x1B8E;
	[sflag:s22] =	ssyncadd.s32 $0xFFFFFFFF  }
0xa5: {  	s24 =	simm.s32 $execute0_lowered;
	[smem:$0x3FD2] =	sst s23  }
0xa6: {  	s5 =	sshll.u32 s24, $0x1;
	_ =	strace $0x80000046;
	[dreg:$0x1] =	wrdreg $0xFFFFFFFF  }
0xa7: {  	s25 =	simm.s32 $_size_execute0_lowered;
	s4 =	sadd.s32 s4, s5;
	[dreg:$0x0] =	wrdreg $0x0  }
0xa8: {  	s5 =	sshll.u32 s25, $0x1;
	[dreg:$0x2] =	wrdreg s4  }
0xa9: {  	[dreg:$0x3] =	wrdreg s5  }
0xaa: {  	[dreg:$0x4] =	wrdreg $0xC0  }
0xab: {  	_ =	task [dreg:s8], $0x5FFFF  }
0xac: {  	[dreg:$0x1] =	wrdreg $0xFFFFFFFF  }
0xad: {  	[dreg:$0x0] =	wrdreg $0x60  }
0xae: {  	[dreg:$0x2] =	wrdreg s0  }
0xaf: {  	[dreg:$0x3] =	wrdreg s17  }
0xb0: {  	[dreg:$0x4] =	wrdreg s2  }
0xb1: {  	[dreg:$0x5] =	wrdreg s3  }
0xb2: {  	[dreg:$0x6] =	wrdreg $0x9000  }
0xb3: {  	[dreg:$0x7] =	wrdreg $0x9  }
0xb4: {  	_ =	task.clear_ibuf [dreg:s8], $0x8FFFF;
	_ =	strace $0x90000046  }
0xb5: {  	s26 =	simm.s32 $0x9;
	_ =	strace $0x80000048  }
0xb6: {  	_ =	swait.ge [sflag:s26], $0x1  }
0xb7: {  	[sflag:s26] =	ssyncadd.s32 $0xFFFFFFFF  }
0xb8: {  	_ =	strace $0x90000048  }
0xb9: {  	_ =	sfence  }
0xba: {  	s28 =	sld [smem:$0x0];
	_ =	sdelay $0x1  }
0xbb: {  	s29 =	srdreg.scid  }
0xbc: {  	s30 =	sshll.u32 s29, $0xD;
	s31 =	sshrl.u32 s29, $0x2  }
0xbd: {  	s1 =	sand.u32 $0x1, s29;
	s2 =	sand.u32 $0x4000, s30;
	s0 =	sadd.s32 s31, s28  }
0xbe: {  	s1 =	sor.u32 s2, s1;
	s0 =	sshll.u32 s0, $0x11  }
0xbf: {  	s0 =	sor.u32 s0, s1  }
0xc0: {  	s0 =	sadd.s32 $0x8F2B, s0  }
0xc1: {  	[sflag:s0] =	ssyncadd.remote.s32 $0x1  }
0xc2: {  	_ =	sfence.sel $0xFFFF  }
0xc3: {  	[dreg:$0x0] =	wrdreg $0xFFFFFFFF;
	(pc) =	sbr.abs _section_cstart, $3  }
0xc4: {  	[dreg:$0x1] =	wrdreg $0xFFFFFFFF  }
0xc5: {  	_ =	task.clear_ibuf [dreg:s8], $0x2FFFF;
	_ =	strace $0x9FFFFFFF  }
0xc6: {  	(tm) =	ssettm $0x7FFFFFFF  }
0xc7: {  	_ =	shalt  }
tec
execute0_lowered:
.L_overlay_start_1:
0x0: {  	(tag) =	ssettag $0x1  }
0x1: {  	s3 =	rddreg [dreg:$0x0]  }
0x2: {  	s4 =	rddreg [dreg:$0x1]  }
0x3: {  	s5 =	rddreg [dreg:$0x2]  }
0x4: {  	s1 =	rddreg [dreg:$0x3]  }
0x5: {  	s6 =	rddreg [dreg:$0x4]  }
0x6: {  	s0 =	rddreg [dreg:$0x5];
	s7 =	simm.s32 $0x0;
	s8 =	stileid.u32  }
0x7: {  	s24 =	simm.s32 $0x400;
	[smem:$0x7FF] =	sst s7;
	s2 =	sshll.u32 s8, $0x7  }
0x8: {  	p0 =	sne.s32 s8, $0x0;
	_ =	strace $0x80000047;
	s3 =	sadd.s32 s3, s2  }
0x9: {  	[tilespmem:s7], [sflag:$0x1] =	stream.linear.gather [hbm4b:s3+s7], $0x400, $0x38;
	[tilespmem:$0x908] =	vst v63  }
0xa: {  	s23 =	sadd.s32 s4, s2;
	s4 =	simm.s32 @!p0 $0x1C03;
	s3 =	sshrl.u32 @!p0 s6, $0x3  }
0xb: {  	[tilespmem:s24], [sflag:$0x1] =	stream.linear.gather [hbm4b:s23+s7], $0x400, $0x38;
	[tilespmem:$0x908] =	vst v63  }
0xc: {  	[spmem:s3], [sflag:s4] =	dma.local @!p0 [hbm:s5], $0x10  }
0xd: {  	v0 =	vimm.s32 $0x13121110;
	s3 =	simm.s32 @!p0 $0x3  }
0xe: {  	v1 =	vimm.s32 $0x17161514;
	v0 =	vunpack.c.0.s8.s32 v0;
	_ =	swait.ge @!p0 [sflag:s3], $0x10  }
0xf: {  	vm0 =	vcmask $0xF00;
	v1 =	vunpack.c.0.s8.s32 v1;
	[sflag:s3] =	ssyncset.done @!p0 $0x0  }
0x10: {  	vm13 =	vcmask $0x1F10;
	v0 =	vnsel vm0, $0x19, v0;
	[sflag:s3] =	ssyncadd.s32 @!p0 $0xFFFFFFF0  }
0x11: {  	s25 =	simm.s32 $0x800;
	v2 =	vlaneseq.u32;
	vm14 =	vcmask $0x2320;
	s26 =	simm.s32 $0x3;
	v0 =	vsel vm13, v1, v0;
	[bflag:$0x0] =	sbarrier.arrive $0xFFFF  }
0x12: {  	v0 =	vsel vm14, $0x18, v0;
	[tilespmem:s25], [sflag:$0x3] =	stream.linear.gather [spmem:s6], $0x80, $0x38;
	[tilespmem:$0x908] =	vst v63  }
0x13: {  	_ =	swait.ge [sflag:s26], $0x80  }
0x14: {  	[sflag:s26] =	ssyncset.done $0x0  }
0x15: {  	[sflag:s26] =	ssyncadd.s32 $0xFFFFFF80  }
0x16: {  	v1 =	vld.idx.msk [tilespmem:v2+s25+$0x0], $0xffff  }
0x17: {  	v0 =	vld.idx.msk [tilespmem:v0+s25+$0x0], $0xffff;
	_ =	sdelay $0x3  }
0x18: {  	v2 =	vand.u32 $0x7FFFFFFF, v1  }
0x19: {  	v3 =	vand.u32 $0x7FFFFFFF, v0;
	v2 =	vsub.f32 $0.0e+00, v2  }
0x1a: {  	v3 =	vsub.f32 $0.0e+00, v3  }
0x1b: {  	v2 =	vmul.f32 $1.442695020e+00, v2  }
0x1c: {  	v3 =	vmul.f32 $1.442695020e+00, v3  }
0x1d: {  	(erf) = vpow2.f32 v2  }
0x1e: {  	(erf) = vpow2.f32 v3;
	_ =	sdelay $0x7  }
0x1f: {  	v2 =	vpop (erf)  }
0x20: {  	v3 =	vpop (erf)  }
0x21: {  	v4 =	vadd.f32 v2, v2;
	v5 =	vadd.f32 v3, v3;
	_ =	sdelay $0x1  }
0x22: {  	v4 =	vadd.f32 $-1.000000000e+00, v4;
	v5 =	vadd.f32 $-1.000000000e+00, v5;
	_ =	sdelay $0x1  }
0x23: {  	v6 =	vmul.f32 $2.025782670e-05, v4;
	v7 =	vmul.f32 $2.025782670e-05, v5;
	_ =	sdelay $0x1  }
0x24: {  	v6 =	vadd.f32 $-6.614260200e-05, v6;
	v7 =	vadd.f32 $-6.614260200e-05, v7;
	_ =	sdelay $0x1  }
0x25: {  	v6 =	vmul.f32 v6, v4;
	v7 =	vmul.f32 v7, v5;
	_ =	sdelay $0x1  }
0x26: {  	v6 =	vadd.f32 $1.813510900e-04, v6;
	v7 =	vadd.f32 $1.813510900e-04, v7;
	_ =	sdelay $0x1  }
0x27: {  	v6 =	vmul.f32 v6, v4;
	v7 =	vmul.f32 v7, v5;
	_ =	sdelay $0x1  }
0x28: {  	v6 =	vadd.f32 $-6.334423670e-04, v6;
	v7 =	vadd.f32 $-6.334423670e-04, v7;
	_ =	sdelay $0x1  }
0x29: {  	v6 =	vmul.f32 v6, v4;
	v7 =	vmul.f32 v7, v5;
	_ =	sdelay $0x1  }
0x2a: {  	v6 =	vadd.f32 $2.289455150e-03, v6;
	v7 =	vadd.f32 $2.289455150e-03, v7;
	_ =	sdelay $0x1  }
0x2b: {  	v6 =	vmul.f32 v6, v4;
	v7 =	vmul.f32 v7, v5;
	_ =	sdelay $0x1  }
0x2c: {  	v6 =	vadd.f32 $-8.463365030e-03, v6;
	v7 =	vadd.f32 $-8.463365030e-03, v7;
	_ =	sdelay $0x1  }
0x2d: {  	v6 =	vmul.f32 v6, v4;
	v7 =	vmul.f32 v7, v5;
	_ =	sdelay $0x1  }
0x2e: {  	v6 =	vadd.f32 $3.315229710e-02, v6;
	v7 =	vadd.f32 $3.315229710e-02, v7;
	_ =	sdelay $0x1  }
0x2f: {  	v6 =	vmul.f32 v6, v4;
	v7 =	vmul.f32 v7, v5;
	_ =	sdelay $0x1  }
0x30: {  	v6 =	vadd.f32 $-1.442633870e-01, v6;
	v7 =	vadd.f32 $-1.442633870e-01, v7;
	_ =	sdelay $0x1  }
0x31: {  	v4 =	vmul.f32 v6, v4;
	v5 =	vmul.f32 v7, v5;
	_ =	sdelay $0x1  }
0x32: {  	v4 =	vadd.f32 $8.109301920e-01, v4;
	v5 =	vadd.f32 $8.109301920e-01, v5;
	_ =	sdelay $0x1  }
0x33: {  	v2 =	vmul.f32 v4, v2;
	v3 =	vmul.f32 v5, v3  }
0x34: {  	v1 =	vmax.f32 v1, $0.0e+00;
	v0 =	vmax.f32 v0, $0.0e+00  }
0x35: {  	v1 =	vadd.f32 v2, v1;
	v0 =	vadd.f32 v3, v0  }
0x36: {  	vm15 =	vmmov $0x3ff  }
0x37: {  	(xrf2) =	vadd.scan.msk.f32 $0xffff, v1;
	v0 =	vnsel vm15, $0x0, v0  }
0x38: {  	(xrf2) =	vadd.scan.msk.f32 $0xffff, v0;
	_ =	sdelay $0x8  }
0x39: {  	v2, _, _ =	vpop (xrf2)  }
0x3a: {  	(v2sf) =	vpush v2, $0xF;
	v2, _, _ =	vpop (xrf2)  }
0x3b: {  	(v2sf) =	vpush v2, $0xF;
	_ =	sdelay $0xd  }
0x3c: {  	s28 =	spop (v2sf)  }
0x3d: {  	s29 =	spop (v2sf)  }
0x3e: {  	s3 =	sadd.f32 s29, s28;
	_ =	sdelay $0x1  }
0x3f: {  	v2 =	vmov s3  }
0x40: {  	(erf) = vrcp.f32 v2;
	_ =	sdelay $0x8  }
0x41: {  	v2 =	vpop (erf)  }
0x42: {  	v2 =	vmul.f32 $2.600000000e+01, v2;
	_ =	sdelay $0x1  }
0x43: {  	v1 =	vmul.f32 v2, v1  }
0x44: {  	v0 =	vmul.f32 v2, v0  }
0x45: {  	[tilespmem:$0x880] =	vst v1  }
0x46: {  	s30 =	simm.s32 $0x1;
	[tilespmem:$0x890] =	vst v0  }
0x47: {  	_ =	swait.ge [sflag:s30], $0x400  }
0x48: {  	[sflag:s30] =	ssyncset.done $0x0  }
0x49: {  	[sflag:s30] =	ssyncadd.s32 $0xFFFFFC00  }
0x4a: {  	_ =	swait.ge [sflag:s30], $0x400  }
0x4b: {  	[sflag:s30] =	ssyncset.done $0x0  }
0x4c: {  	s31 =	simm.s32 $0x40;
	[sflag:s30] =	ssyncadd.s32 $0xFFFFFC00  }
0x4d: {  	v0 =	vld [tilespmem:s31+$0x30]  }
0x4e: {  	v1 =	vld [tilespmem:s31+$0xFFFFFFC0]  }
0x4f: {  	v2 =	vld [tilespmem:s31+$0xFFFFFFD0]  }
0x50: {  	v3 =	vld [tilespmem:s31+$0xFFFFFFE0]  }
0x51: {  	v4 =	vld [tilespmem:s31+$0xFFFFFFF0]  }
0x52: {  	v5 =	vld [tilespmem:s31+$0x0]  }
0x53: {  	v6 =	vld [tilespmem:s31+$0x10]  }
0x54: {  	s3 =	simm.s32 $0x440;
	v7 =	vld [tilespmem:s31+$0x20]  }
0x55: {  	v11 =	vld [tilespmem:s3+$0x30]  }
0x56: {  	v14 =	vld [tilespmem:s3+$0xFFFFFFE0]  }
0x57: {  	v9 =	vld [tilespmem:s3+$0xFFFFFFF0]  }
0x58: {  	s4 =	simm.s32 $0x880;
	v8 =	vld [tilespmem:s3+$0x0]  }
0x59: {  	v10 =	vld.idx.msk [tilespmem:v0+s4+$0x0], $0xffff  }
0x5a: {  	v0 =	vld.idx.msk [tilespmem:v1+s4+$0x0], $0xffff  }
0x5b: {  	v12 =	vld.idx.msk [tilespmem:v2+s4+$0x0], $0xffff  }
0x5c: {  	v13 =	vld.idx.msk [tilespmem:v3+s4+$0x0], $0xffff  }
0x5d: {  	v1 =	vld.idx.msk [tilespmem:v7+s4+$0x0], $0xffff  }
0x5e: {  	v7 =	vld [tilespmem:s3+$0xFFFFFFD0]  }
0x5f: {  	v4 =	vld.idx.msk [tilespmem:v4+s4+$0x0], $0xffff  }
0x60: {  	v3 =	vld.idx.msk [tilespmem:v5+s4+$0x0], $0xffff  }
0x61: {  	v2 =	vld.idx.msk [tilespmem:v6+s4+$0x0], $0xffff  }
0x62: {  	v6 =	vld [tilespmem:s3+$0x10];
	v10 =	vmul.f32 v10, v11  }
0x63: {  	v5 =	vld [tilespmem:s3+$0x20];
	v11 =	vmul.f32 v12, v7  }
0x64: {  	s1 =	sadd.s32 s1, s2;
	s2 =	simm.s32 $0x0;
	s5 =	simm.s32 $0xC0;
	v7 =	vld [tilespmem:s3+$0xFFFFFFC0];
	[tilespmem:s3+$0x30] =	vst v10;
	v10 =	vmul.f32 v13, v14  }
.LBB2_1:
0x65: {  	v12 =	vld [tilespmem:s5+$0x30];
	s2 =	sadd.s32 $0x80, s2;
	[tilespmem:s3+$0xFFFFFFD0] =	vst v11;
	v4 =	vmul.f32 v4, v9  }
0x66: {  	v9 =	vld [tilespmem:s5+$0xFFFFFFC0];
	p1 =	slt.u32 s2, $0x380;
	[tilespmem:s3+$0xFFFFFFE0] =	vst v10;
	v3 =	vmul.f32 v3, v8  }
0x67: {  	v8 =	vld [tilespmem:s5+$0xFFFFFFD0];
	[tilespmem:s3+$0xFFFFFFF0] =	vst v4;
	v2 =	vmul.f32 v2, v6  }
0x68: {  	v4 =	vld [tilespmem:s5+$0xFFFFFFE0];
	[tilespmem:s3+$0x0] =	vst v3;
	v1 =	vmul.f32 v1, v5  }
0x69: {  	v3 =	vld [tilespmem:s5+$0xFFFFFFF0];
	v0 =	vmul.f32 v0, v7;
	[tilespmem:s3+$0x10] =	vst v2  }
0x6a: {  	v2 =	vld [tilespmem:s5+$0x0];
	[tilespmem:s3+$0x20] =	vst v1  }
0x6b: {  	v1 =	vld [tilespmem:s5+$0x10];
	[tilespmem:s3+$0xFFFFFFC0] =	vst v0  }
0x6c: {  	v5 =	vld [tilespmem:s5+$0x20]  }
0x6d: {  	s3 =	sadd.s32 $0x80, s3;
	v6 =	vld.idx.msk [tilespmem:v12+s4+$0x0], $0xffff  }
0x6e: {  	v7 =	vld [tilespmem:s3+$0x30]  }
0x6f: {  	v0 =	vld.idx.msk [tilespmem:v9+s4+$0x0], $0xffff  }
0x70: {  	v10 =	vld.idx.msk [tilespmem:v8+s4+$0x0], $0xffff  }
0x71: {  	v12 =	vld.idx.msk [tilespmem:v4+s4+$0x0], $0xffff  }
0x72: {  	v4 =	vld.idx.msk [tilespmem:v3+s4+$0x0], $0xffff  }
0x73: {  	v3 =	vld.idx.msk [tilespmem:v2+s4+$0x0], $0xffff;
	v6 =	vmul.f32 v6, v7  }
0x74: {  	v2 =	vld.idx.msk [tilespmem:v1+s4+$0x0], $0xffff  }
0x75: {  	v1 =	vld.idx.msk [tilespmem:v5+s4+$0x0], $0xffff;
	[tilespmem:s3+$0x30] =	vst v6  }
0x76: {  	v5 =	vld [tilespmem:s3+$0xFFFFFFD0]  }
0x77: {  	v13 =	vld [tilespmem:s3+$0xFFFFFFE0]  }
.Ltmp0:
0x78: {  	v9 =	vld [tilespmem:s3+$0xFFFFFFF0];
	(pc) =	sbr.rel @p1 .LBB2_1-.Ltmp0, $4  }
0x79: {  	v8 =	vld [tilespmem:s3+$0x0]  }
0x7a: {  	v6 =	vld [tilespmem:s3+$0x10]  }
0x7b: {  	v11 =	vmul.f32 v10, v5;
	v5 =	vld [tilespmem:s3+$0x20]  }
0x7c: {  	s5 =	sadd.s32 $0x80, s5;
	v7 =	vld [tilespmem:s3+$0xFFFFFFC0];
	v10 =	vmul.f32 v12, v13  }
0x7d: {  	[tilespmem:s3+$0xFFFFFFD0] =	vst v11;
	v4 =	vmul.f32 v4, v9  }
0x7e: {  	[tilespmem:s3+$0xFFFFFFE0] =	vst v10;
	v3 =	vmul.f32 v3, v8  }
0x7f: {  	[tilespmem:s3+$0xFFFFFFF0] =	vst v4;
	v2 =	vmul.f32 v2, v6  }
0x80: {  	[tilespmem:s3+$0x0] =	vst v3;
	v1 =	vmul.f32 v1, v5  }
0x81: {  	v0 =	vmul.f32 v0, v7;
	[tilespmem:s3+$0x10] =	vst v2  }
0x82: {  	[tilespmem:s3+$0x20] =	vst v1  }
0x83: {  	s2 =	simm.s32 $0x0;
	s30 =	simm.s32 $0x400;
	s31 =	simm.s32 $0x2;
	[tilespmem:s3+$0xFFFFFFC0] =	vst v0  }
0x84: {  	[hbm4b:s1+s2] =	stream.linear.scatter [tilespmem:s30], [sflag:$0x2], $0x400, $0x38;
	[tilespmem:$0x908] =	vst v63  }
0x85: {  	_ =	swait.ge [sflag:s31], $0x400  }
0x86: {  	[sflag:s31] =	ssyncset.done $0x0  }
0x87: {  	[sflag:s31] =	ssyncadd.s32 $0xFFFFFC00  }
0x88: {  	_ =	sfence.sel $0x180000  }
0x89: {  	[bflag:$0x0] =	sbarrier.arrive $0xFFFF  }
0x8a: {  	_ =	strace $0x90000047  }
0x8b: {  	s0 =	sadd.s32 @!p0 $0x100000, s0;
	[bflag:$0x2] =	sbarrier.arrive $0xFFFF  }
0x8c: {  	[sflag:s0] =	ssyncadd.tile.s32 @!p0 $0x1;
	_ =	shalt  }
.Lfunc_end2:
_tile_overlayer_lowered:
.L_overlay_start_2:
0x8d: {  	(tag) =	ssettag $0x2  }
0x8e: {  	s0 =	rddreg [dreg:$0x0];
	s2 =	stileid.u32  }
0x8f: {  	s1 =	rddreg [dreg:$0x1];
	p0 =	sne.s32 s2, $0x0  }
0x90: {  	s3 =	rddreg [dreg:$0x2];
	[bflag:$0x3] =	sbarrier.arrive $0xFFFF;
	s2 =	simm.s32 @!p0 $0x1C03  }
0x91: {  	[timem:s3], [sflag:s2] =	dma.local @!p0 [hbm:s0], s1  }
0x92: {  	s0 =	simm.s32 @!p0 $0x3  }
0x93: {  	_ =	swait.ge @!p0 [sflag:s0], s1  }
0x94: {  	s1 =	ssub.s32 @!p0 $0x0, s1;
	[sflag:s0] =	ssyncset.done @!p0 $0x0  }
0x95: {  	[sflag:s0] =	ssyncadd.s32 @!p0 s1  }
0x96: {  	[bflag:$0x3] =	sbarrier.arrive $0xFFFF  }
0x97: {  	_ =	shalt  }

</sc_bundles>
